<compile_context>
chip_gen: v7x
topology: tpu7x:2x2x1
jax: 0.10.2.dev20260603
libtpu: 0.0.44.dev20260713+nightly
codegen_flags: <defaults>
</compile_context>

<pallas_src>
import functools

import jax
import jax.numpy as jnp
from jax import lax
from jax.experimental import pallas as pl
from jax.experimental.pallas import tpu as pltpu
from jax.experimental.pallas import tpu_sc as plsc

NUM_Q = 100000
EMB = 128
PRE = 768
ROW_BLOCK = 2000
NUM_CORES = 2
NUM_SUBCORES = 16
NUM_WORKERS = NUM_CORES * NUM_SUBCORES
CHUNK = 256


def _table_body(id_ref, c_ref, a_ref, wc_ref, wa_ref, bias_ref, type_ref,
                qs_ref, types_ref, out_ref, idx_ref):
    comb = (
        id_ref[...]
        + jnp.dot(c_ref[...].astype(jnp.bfloat16),
                  wc_ref[...].astype(jnp.bfloat16),
                  preferred_element_type=jnp.float32)
        + jnp.dot(a_ref[...].astype(jnp.bfloat16),
                  wa_ref[...].astype(jnp.bfloat16),
                  preferred_element_type=jnp.float32)
        + bias_ref[...]
    )
    out_ref[0, :, :] = comb + type_ref[0:1, :]
    out_ref[1, :, :] = comb + type_ref[1:2, :]
    idx_ref[...] = qs_ref[...] + types_ref[...] * NUM_Q


def _build_expanded_and_indices(id_table, content_table, analysis_table,
                                content_W, analysis_W, bias, type_table,
                                qs2d, types2d):
    grid_n = NUM_Q // ROW_BLOCK
    idx_rows = qs2d.shape[0] // grid_n
    return pl.pallas_call(
        _table_body,
        grid=(grid_n,),
        in_specs=[
            pl.BlockSpec((ROW_BLOCK, EMB), lambda i: (i, 0)),
            pl.BlockSpec((ROW_BLOCK, PRE), lambda i: (i, 0)),
            pl.BlockSpec((ROW_BLOCK, PRE), lambda i: (i, 0)),
            pl.BlockSpec((PRE, EMB), lambda i: (0, 0)),
            pl.BlockSpec((PRE, EMB), lambda i: (0, 0)),
            pl.BlockSpec((1, EMB), lambda i: (0, 0)),
            pl.BlockSpec((2, EMB), lambda i: (0, 0)),
            pl.BlockSpec((idx_rows, 128), lambda i: (i, 0)),
            pl.BlockSpec((idx_rows, 128), lambda i: (i, 0)),
        ],
        out_specs=[
            pl.BlockSpec((2, ROW_BLOCK, EMB), lambda i: (0, i, 0)),
            pl.BlockSpec((idx_rows, 128), lambda i: (i, 0)),
        ],
        out_shape=[
            jax.ShapeDtypeStruct((2, NUM_Q, EMB), jnp.float32),
            jax.ShapeDtypeStruct(qs2d.shape, jnp.int32),
        ],
        compiler_params=pltpu.CompilerParams(dimension_semantics=("parallel",)),
    )(id_table, content_table, analysis_table, content_W, analysis_W, bias,
      type_table, qs2d, types2d)


def _sc_gather(expanded, idx):
    num_idx = idx.shape[0]
    b_per_w = num_idx // NUM_WORKERS
    nchunk = b_per_w // CHUNK
    mesh = plsc.VectorSubcoreMesh(core_axis_name="c", subcore_axis_name="s")

    nround = (nchunk + 2) // 3

    @functools.partial(
        pl.kernel,
        mesh=mesh,
        out_type=jax.ShapeDtypeStruct((num_idx, EMB), jnp.float32),
        scratch_types=[
            pltpu.VMEM((CHUNK,), jnp.int32),
            pltpu.VMEM((CHUNK,), jnp.int32),
            pltpu.VMEM((CHUNK,), jnp.int32),
            pltpu.VMEM((CHUNK, EMB), jnp.float32),
            pltpu.VMEM((CHUNK, EMB), jnp.float32),
            pltpu.VMEM((CHUNK, EMB), jnp.float32),
            pltpu.SemaphoreType.DMA,
            pltpu.SemaphoreType.DMA,
            pltpu.SemaphoreType.DMA,
            pltpu.SemaphoreType.DMA,
            pltpu.SemaphoreType.DMA,
            pltpu.SemaphoreType.DMA,
        ],
    )
    def k(table_hbm, idx_hbm, out_hbm, ix0, ix1, ix2, rw0, rw1, rw2,
          sg0, sg1, sg2, sw0, sw1, sw2):
        idx_v = (ix0, ix1, ix2)
        rows_v = (rw0, rw1, rw2)
        semg = (sg0, sg1, sg2)
        semw = (sw0, sw1, sw2)
        wid = lax.axis_index("s") * NUM_CORES + lax.axis_index("c")
        base0 = wid * b_per_w

        def out_slice(i):
            return out_hbm.at[pl.ds(base0 + i * CHUNK, CHUNK)]

        def substep(i, b):
            @pl.when(i < nchunk)
            def _():
                pltpu.make_async_copy(
                    table_hbm.at[idx_v[b]], rows_v[b], semg[b]).wait()
                pltpu.async_copy(rows_v[b], out_slice(i), semw[b])

            b2 = (b + 2) % 3

            @pl.when(i + 2 < nchunk)
            def _():
                pltpu.sync_copy(
                    idx_hbm.at[pl.ds(base0 + (i + 2) * CHUNK, CHUNK)],
                    idx_v[b2])

                @pl.when(i >= 1)
                def _():
                    pltpu.make_async_copy(
                        rows_v[b2], out_slice(i - 1), semw[b2]).wait()

                pltpu.async_copy(table_hbm.at[idx_v[b2]], rows_v[b2], semg[b2])

        pltpu.sync_copy(idx_hbm.at[pl.ds(base0, CHUNK)], idx_v[0])
        pltpu.async_copy(table_hbm.at[idx_v[0]], rows_v[0], semg[0])
        pltpu.sync_copy(idx_hbm.at[pl.ds(base0 + CHUNK, CHUNK)], idx_v[1])
        pltpu.async_copy(table_hbm.at[idx_v[1]], rows_v[1], semg[1])

        @pl.loop(0, nround)
        def _(r):
            substep(3 * r, 0)
            substep(3 * r + 1, 1)
            substep(3 * r + 2, 2)

        for j in (nchunk - 3, nchunk - 2, nchunk - 1):
            pltpu.make_async_copy(
                rows_v[j % 3], out_slice(j), semw[j % 3]).wait()

    return k(expanded, idx)


def kernel(qs, types, id_table, content_table, content_W, content_b,
           analysis_table, analysis_W, analysis_b, type_table):
    bias = (content_b + analysis_b).reshape(1, EMB)
    batch, seqlen = qs.shape
    qs2d = qs.astype(jnp.int32).reshape(-1, 128)
    types2d = types.astype(jnp.int32).reshape(-1, 128)

    expanded3, idx2d = _build_expanded_and_indices(
        id_table, content_table, analysis_table, content_W, analysis_W, bias,
        type_table, qs2d, types2d,
    )
    expanded = expanded3.reshape(2 * NUM_Q, EMB)
    idx = idx2d.reshape(-1)

    gathered = _sc_gather(expanded, idx)
    return gathered.reshape(batch, seqlen, EMB)

# --- scband reference (transcript-rebuilt; emitter-appended) ---
"""Pipeline reference for scband-question-encoder-33827162423755 (READ-ONLY COPY).

The authoritative reference and input builder live on the scoring server;
editing this copy changes nothing except your own understanding.
"""

import jax, jax.numpy as jnp
import numpy as np

NUM_Q = 100000
EMB = 128
PRE = 768
B, L = 4096, 200


def setup_inputs(seed: int = 0) -> dict:
    key = jax.random.key(seed)
    ks = jax.random.split(key, 10)
    qs = jax.random.randint(ks[0], (B, L), 0, NUM_Q)
    types = jax.random.randint(ks[1], (B, L), 0, 2)
    id_table = jax.random.normal(ks[2], (NUM_Q, EMB), dtype=jnp.float32) * 0.02
    content_table = jax.random.normal(ks[3], (NUM_Q, PRE), dtype=jnp.float32) * 0.02
    content_W = jax.random.normal(ks[4], (PRE, EMB), dtype=jnp.float32) * (1.0 / np.sqrt(PRE))
    content_b = jnp.zeros((EMB,), dtype=jnp.float32)
    analysis_table = jax.random.normal(ks[5], (NUM_Q, PRE), dtype=jnp.float32) * 0.02
    analysis_W = jax.random.normal(ks[6], (PRE, EMB), dtype=jnp.float32) * (1.0 / np.sqrt(PRE))
    analysis_b = jnp.zeros((EMB,), dtype=jnp.float32)
    type_table = jax.random.normal(ks[7], (2, EMB), dtype=jnp.float32) * 0.02
    return {
        "qs": qs,
        "types": types,
        "id_table": id_table,
        "content_table": content_table,
        "content_W": content_W,
        "content_b": content_b,
        "analysis_table": analysis_table,
        "analysis_W": analysis_W,
        "analysis_b": analysis_b,
        "type_table": type_table,
    }


def reference(qs, types, id_table, content_table, content_W, content_b,
              analysis_table, analysis_W, analysis_b, type_table):
    # id_encoder: plain embedding lookup
    qid_emb = jnp.take(id_table, qs, axis=0)
    # content_encoder (RobertaEncode): frozen pretrained embedding lookup -> linear projection
    # (dropout is identity in eval mode)
    cont_emb = jnp.take(content_table, qs, axis=0) @ content_W + content_b
    # analysis_encoder (RobertaEncode)
    ana_emb = jnp.take(analysis_table, qs, axis=0) @ analysis_W + analysis_b
    # type_encoder: 2-row embedding lookup
    type_emb = jnp.take(type_table, types, axis=0)
    # emb_type == 'qidadd' branch
    return qid_emb + cont_emb + ana_emb + type_emb

if __name__ == "__main__":
    import jax
    _d = setup_inputs()
    print(jax.jit(kernel)(*tuple(_d.values())))

</pallas_src>

<mosaic_0001>
#map = affine_map<(d0, d1) -> (0, 0)>
#map1 = affine_map<(d0, d1) -> (0)>
module attributes {stable_mosaic.version = 14 : i64} {
  func.func @k(%arg0: i32, %arg1: i32, %arg2: memref<200000x128xf32, #tpu.memory_space<hbm>>, %arg3: memref<819200xi32, #tpu.memory_space<hbm>>, %arg4: memref<819200x128xf32, #tpu.memory_space<hbm>>, %arg5: memref<256xi32, #tpu.memory_space<vmem>>, %arg6: memref<256xi32, #tpu.memory_space<vmem>>, %arg7: memref<256xi32, #tpu.memory_space<vmem>>, %arg8: memref<256x128xf32, #tpu.memory_space<vmem>>, %arg9: memref<256x128xf32, #tpu.memory_space<vmem>>, %arg10: memref<256x128xf32, #tpu.memory_space<vmem>>, %arg11: memref<!tpu.dma_semaphore, #tpu.memory_space<semaphore_mem>>, %arg12: memref<!tpu.dma_semaphore, #tpu.memory_space<semaphore_mem>>, %arg13: memref<!tpu.dma_semaphore, #tpu.memory_space<semaphore_mem>>, %arg14: memref<!tpu.dma_semaphore, #tpu.memory_space<semaphore_mem>>, %arg15: memref<!tpu.dma_semaphore, #tpu.memory_space<semaphore_mem>>, %arg16: memref<!tpu.dma_semaphore, #tpu.memory_space<semaphore_mem>>) attributes {dimension_semantics = [#tpu.dimension_semantics<core_parallel>, #tpu.dimension_semantics<subcore_parallel>], iteration_bounds = array<i64: 2, 16>, scalar_prefetch = 0 : i64, scratch_operands = 12 : i64, tpu.core_type = #tpu.core_type<sc_vector_subcore>, window_params = [{transform_indices = #map}, {transform_indices = #map1}, {transform_indices = #map}]} {
    %mul3A = arith.constant 2 : i32
    %mul3A_0 = arith.muli %arg1, %mul3A : i32
    %add3A = arith.addi %mul3A_0, %arg0 : i32
    %mul3A_1 = arith.constant 25600 : i32
    %mul3A_2 = arith.muli %add3A, %mul3A_1 : i32
    "tpu.region"() ({
      %run_scoped3A = tpu.sem_alloc : memref<!tpu.dma_semaphore, #tpu.memory_space<semaphore_mem>>
      %dma_start3A_31 = tpu.memref_slice %arg3[%mul3A_2] : memref<819200xi32, #tpu.memory_space<hbm>> -> memref<256xi32, #tpu.memory_space<hbm>>
      %dma_start3A_32 = tpu.memref_slice %arg3[%mul3A_2] : memref<819200xi32, #tpu.memory_space<hbm>> -> memref<256xi32, #tpu.memory_space<hbm>>
      tpu.enqueue_dma source(%dma_start3A_32 : memref<256xi32, #tpu.memory_space<hbm>>) target(%arg5 : memref<256xi32, #tpu.memory_space<vmem>>) target_semaphore(%run_scoped3A : memref<!tpu.dma_semaphore, #tpu.memory_space<semaphore_mem>>)
      %dma_wait3A_33 = tpu.memref_slice %arg3[%mul3A_2] : memref<819200xi32, #tpu.memory_space<hbm>> -> memref<256xi32, #tpu.memory_space<hbm>>
      %dma_wait3A_34 = tpu.memref_slice %arg3[%mul3A_2] : memref<819200xi32, #tpu.memory_space<hbm>> -> memref<256xi32, #tpu.memory_space<hbm>>
      tpu.wait_dma2 semaphore(%run_scoped3A : memref<!tpu.dma_semaphore, #tpu.memory_space<semaphore_mem>>) src(%dma_wait3A_34 : memref<256xi32, #tpu.memory_space<hbm>>) dst(%arg5 : memref<256xi32, #tpu.memory_space<vmem>>)
      tpu.yield
    }) : () -> ()
    %dma_start3A = arith.constant 0 : i32
    %dma_start3A_3 = arith.constant 0 : i32
    %dma_start3A_4 = tpu.memref_slice %arg2[%dma_start3A, %dma_start3A_3] : memref<200000x128xf32, #tpu.memory_space<hbm>> -> memref<200000x128xf32, #tpu.memory_space<hbm>>
    tpu.enqueue_indirect_dma source(%dma_start3A_4 : memref<200000x128xf32, #tpu.memory_space<hbm>>) target(%arg8 : memref<256x128xf32, #tpu.memory_space<vmem>>) offsets(%arg5 : memref<256xi32, #tpu.memory_space<vmem>>) semaphore(%arg11 : memref<!tpu.dma_semaphore, #tpu.memory_space<semaphore_mem>>)
    %add3A_5 = arith.constant 256 : i32
    %add3A_6 = arith.addi %mul3A_2, %add3A_5 : i32
    "tpu.region"() ({
      %run_scoped3A = tpu.sem_alloc : memref<!tpu.dma_semaphore, #tpu.memory_space<semaphore_mem>>
      %dma_start3A_31 = tpu.memref_slice %arg3[%add3A_6] : memref<819200xi32, #tpu.memory_space<hbm>> -> memref<256xi32, #tpu.memory_space<hbm>>
      %dma_start3A_32 = tpu.memref_slice %arg3[%add3A_6] : memref<819200xi32, #tpu.memory_space<hbm>> -> memref<256xi32, #tpu.memory_space<hbm>>
      tpu.enqueue_dma source(%dma_start3A_32 : memref<256xi32, #tpu.memory_space<hbm>>) target(%arg6 : memref<256xi32, #tpu.memory_space<vmem>>) target_semaphore(%run_scoped3A : memref<!tpu.dma_semaphore, #tpu.memory_space<semaphore_mem>>)
      %dma_wait3A_33 = tpu.memref_slice %arg3[%add3A_6] : memref<819200xi32, #tpu.memory_space<hbm>> -> memref<256xi32, #tpu.memory_space<hbm>>
      %dma_wait3A_34 = tpu.memref_slice %arg3[%add3A_6] : memref<819200xi32, #tpu.memory_space<hbm>> -> memref<256xi32, #tpu.memory_space<hbm>>
      tpu.wait_dma2 semaphore(%run_scoped3A : memref<!tpu.dma_semaphore, #tpu.memory_space<semaphore_mem>>) src(%dma_wait3A_34 : memref<256xi32, #tpu.memory_space<hbm>>) dst(%arg6 : memref<256xi32, #tpu.memory_space<vmem>>)
      tpu.yield
    }) : () -> ()
    %dma_start3A_7 = arith.constant 0 : i32
    %dma_start3A_8 = arith.constant 0 : i32
    %dma_start3A_9 = tpu.memref_slice %arg2[%dma_start3A_7, %dma_start3A_8] : memref<200000x128xf32, #tpu.memory_space<hbm>> -> memref<200000x128xf32, #tpu.memory_space<hbm>>
    tpu.enqueue_indirect_dma source(%dma_start3A_9 : memref<200000x128xf32, #tpu.memory_space<hbm>>) target(%arg9 : memref<256x128xf32, #tpu.memory_space<vmem>>) offsets(%arg6 : memref<256xi32, #tpu.memory_space<vmem>>) semaphore(%arg12 : memref<!tpu.dma_semaphore, #tpu.memory_space<semaphore_mem>>)
    %scan3A = arith.constant 0 : i32
    %scan3A_10 = arith.constant 34 : i32
    %scan3A_11 = arith.addi %scan3A, %scan3A_10 : i32
    %scan3A_12 = arith.constant 1 : i32
    scf.for %scan3A_31 = %scan3A to %scan3A_11 step %scan3A_12  : i32 {
      %mul3A_32 = arith.constant 1 : i32
      %mul3A_33 = arith.muli %scan3A_31, %mul3A_32 : i32
      %add3A_34 = arith.constant 0 : i32
      %add3A_35 = arith.addi %add3A_34, %mul3A_33 : i32
      %mul3A_36 = arith.constant 3 : i32
      %mul3A_37 = arith.muli %mul3A_36, %add3A_35 : i32
      %lt3A = arith.constant 100 : i32
      %lt3A_38 = arith.cmpi slt, %mul3A_37, %lt3A : i32
      %convert_element_type3A = arith.extui %lt3A_38 : i1 to i32
      %cond3A = arith.constant 0 : i32
      %cond3A_39 = arith.cmpi ne, %convert_element_type3A, %cond3A : i32
      scf.if %cond3A_39 {
        %dma_wait3A_79 = arith.constant 0 : i32
        %dma_wait3A_80 = arith.constant 0 : i32
        %dma_wait3A_81 = tpu.memref_slice %arg2[%dma_wait3A_79, %dma_wait3A_80] : memref<200000x128xf32, #tpu.memory_space<hbm>> -> memref<200000x128xf32, #tpu.memory_space<hbm>>
        tpu.wait_indirect_dma semaphore(%arg11 : memref<!tpu.dma_semaphore, #tpu.memory_space<semaphore_mem>>) src(%dma_wait3A_81 : memref<200000x128xf32, #tpu.memory_space<hbm>>) dst(%arg8 : memref<256x128xf32, #tpu.memory_space<vmem>>)
        %mul3A_82 = arith.constant 256 : i32
        %mul3A_83 = arith.muli %mul3A_37, %mul3A_82 : i32
        %add3A_84 = arith.addi %mul3A_2, %mul3A_83 : i32
        %dma_start3A_85 = arith.constant 0 : i32
        %dma_start3A_86 = tpu.memref_slice %arg4[%add3A_84, %dma_start3A_85] : memref<819200x128xf32, #tpu.memory_space<hbm>> -> memref<256x128xf32, #tpu.memory_space<hbm>>
        %dma_start3A_87 = arith.constant 0 : i32
        %dma_start3A_88 = tpu.memref_slice %arg4[%add3A_84, %dma_start3A_87] : memref<819200x128xf32, #tpu.memory_space<hbm>> -> memref<256x128xf32, #tpu.memory_space<hbm>>
        tpu.enqueue_dma source(%arg8 : memref<256x128xf32, #tpu.memory_space<vmem>>) target(%dma_start3A_88 : memref<256x128xf32, #tpu.memory_space<hbm>>) target_semaphore(%arg14 : memref<!tpu.dma_semaphore, #tpu.memory_space<semaphore_mem>>)
      } else {
      }
      %add3A_40 = arith.constant 2 : i32
      %add3A_41 = arith.addi %mul3A_37, %add3A_40 : i32
      %lt3A_42 = arith.constant 100 : i32
      %lt3A_43 = arith.cmpi slt, %add3A_41, %lt3A_42 : i32
      %convert_element_type3A_44 = arith.extui %lt3A_43 : i1 to i32
      %cond3A_45 = arith.constant 0 : i32
      %cond3A_46 = arith.cmpi ne, %convert_element_type3A_44, %cond3A_45 : i32
      scf.if %cond3A_46 {
        %add3A_79 = arith.constant 2 : i32
        %add3A_80 = arith.addi %mul3A_37, %add3A_79 : i32
        %mul3A_81 = arith.constant 256 : i32
        %mul3A_82 = arith.muli %add3A_80, %mul3A_81 : i32
        %add3A_83 = arith.addi %mul3A_2, %mul3A_82 : i32
        "tpu.region"() ({
          %run_scoped3A = tpu.sem_alloc : memref<!tpu.dma_semaphore, #tpu.memory_space<semaphore_mem>>
          %dma_start3A_91 = tpu.memref_slice %arg3[%add3A_83] : memref<819200xi32, #tpu.memory_space<hbm>> -> memref<256xi32, #tpu.memory_space<hbm>>
          %dma_start3A_92 = tpu.memref_slice %arg3[%add3A_83] : memref<819200xi32, #tpu.memory_space<hbm>> -> memref<256xi32, #tpu.memory_space<hbm>>
          tpu.enqueue_dma source(%dma_start3A_92 : memref<256xi32, #tpu.memory_space<hbm>>) target(%arg7 : memref<256xi32, #tpu.memory_space<vmem>>) target_semaphore(%run_scoped3A : memref<!tpu.dma_semaphore, #tpu.memory_space<semaphore_mem>>)
          %dma_wait3A_93 = tpu.memref_slice %arg3[%add3A_83] : memref<819200xi32, #tpu.memory_space<hbm>> -> memref<256xi32, #tpu.memory_space<hbm>>
          %dma_wait3A_94 = tpu.memref_slice %arg3[%add3A_83] : memref<819200xi32, #tpu.memory_space<hbm>> -> memref<256xi32, #tpu.memory_space<hbm>>
          tpu.wait_dma2 semaphore(%run_scoped3A : memref<!tpu.dma_semaphore, #tpu.memory_space<semaphore_mem>>) src(%dma_wait3A_94 : memref<256xi32, #tpu.memory_space<hbm>>) dst(%arg7 : memref<256xi32, #tpu.memory_space<vmem>>)
          tpu.yield
        }) : () -> ()
        %ge3A = arith.constant 1 : i32
        %ge3A_84 = arith.cmpi sge, %mul3A_37, %ge3A : i32
        %convert_element_type3A_85 = arith.extui %ge3A_84 : i1 to i32
        %cond3A_86 = arith.constant 0 : i32
        %cond3A_87 = arith.cmpi ne, %convert_element_type3A_85, %cond3A_86 : i32
        scf.if %cond3A_87 {
          %sub3A = arith.constant 1 : i32
          %sub3A_91 = arith.subi %mul3A_37, %sub3A : i32
          %mul3A_92 = arith.constant 256 : i32
          %mul3A_93 = arith.muli %sub3A_91, %mul3A_92 : i32
          %add3A_94 = arith.addi %mul3A_2, %mul3A_93 : i32
          %dma_wait3A_95 = arith.constant 0 : i32
          %dma_wait3A_96 = tpu.memref_slice %arg4[%add3A_94, %dma_wait3A_95] : memref<819200x128xf32, #tpu.memory_space<hbm>> -> memref<256x128xf32, #tpu.memory_space<hbm>>
          %dma_wait3A_97 = arith.constant 0 : i32
          %dma_wait3A_98 = tpu.memref_slice %arg4[%add3A_94, %dma_wait3A_97] : memref<819200x128xf32, #tpu.memory_space<hbm>> -> memref<256x128xf32, #tpu.memory_space<hbm>>
          tpu.wait_dma2 semaphore(%arg16 : memref<!tpu.dma_semaphore, #tpu.memory_space<semaphore_mem>>) src(%arg10 : memref<256x128xf32, #tpu.memory_space<vmem>>) dst(%dma_wait3A_98 : memref<256x128xf32, #tpu.memory_space<hbm>>)
        } else {
        }
        %dma_start3A_88 = arith.constant 0 : i32
        %dma_start3A_89 = arith.constant 0 : i32
        %dma_start3A_90 = tpu.memref_slice %arg2[%dma_start3A_88, %dma_start3A_89] : memref<200000x128xf32, #tpu.memory_space<hbm>> -> memref<200000x128xf32, #tpu.memory_space<hbm>>
        tpu.enqueue_indirect_dma source(%dma_start3A_90 : memref<200000x128xf32, #tpu.memory_space<hbm>>) target(%arg10 : memref<256x128xf32, #tpu.memory_space<vmem>>) offsets(%arg7 : memref<256xi32, #tpu.memory_space<vmem>>) semaphore(%arg13 : memref<!tpu.dma_semaphore, #tpu.memory_space<semaphore_mem>>)
      } else {
      }
      %mul3A_47 = arith.constant 3 : i32
      %mul3A_48 = arith.muli %mul3A_47, %add3A_35 : i32
      %add3A_49 = arith.constant 1 : i32
      %add3A_50 = arith.addi %mul3A_48, %add3A_49 : i32
      %lt3A_51 = arith.constant 100 : i32
      %lt3A_52 = arith.cmpi slt, %add3A_50, %lt3A_51 : i32
      %convert_element_type3A_53 = arith.extui %lt3A_52 : i1 to i32
      %cond3A_54 = arith.constant 0 : i32
      %cond3A_55 = arith.cmpi ne, %convert_element_type3A_53, %cond3A_54 : i32
      scf.if %cond3A_55 {
        %dma_wait3A_79 = arith.constant 0 : i32
        %dma_wait3A_80 = arith.constant 0 : i32
        %dma_wait3A_81 = tpu.memref_slice %arg2[%dma_wait3A_79, %dma_wait3A_80] : memref<200000x128xf32, #tpu.memory_space<hbm>> -> memref<200000x128xf32, #tpu.memory_space<hbm>>
        tpu.wait_indirect_dma semaphore(%arg12 : memref<!tpu.dma_semaphore, #tpu.memory_space<semaphore_mem>>) src(%dma_wait3A_81 : memref<200000x128xf32, #tpu.memory_space<hbm>>) dst(%arg9 : memref<256x128xf32, #tpu.memory_space<vmem>>)
        %mul3A_82 = arith.constant 256 : i32
        %mul3A_83 = arith.muli %add3A_50, %mul3A_82 : i32
        %add3A_84 = arith.addi %mul3A_2, %mul3A_83 : i32
        %dma_start3A_85 = arith.constant 0 : i32
        %dma_start3A_86 = tpu.memref_slice %arg4[%add3A_84, %dma_start3A_85] : memref<819200x128xf32, #tpu.memory_space<hbm>> -> memref<256x128xf32, #tpu.memory_space<hbm>>
        %dma_start3A_87 = arith.constant 0 : i32
        %dma_start3A_88 = tpu.memref_slice %arg4[%add3A_84, %dma_start3A_87] : memref<819200x128xf32, #tpu.memory_space<hbm>> -> memref<256x128xf32, #tpu.memory_space<hbm>>
        tpu.enqueue_dma source(%arg9 : memref<256x128xf32, #tpu.memory_space<vmem>>) target(%dma_start3A_88 : memref<256x128xf32, #tpu.memory_space<hbm>>) target_semaphore(%arg15 : memref<!tpu.dma_semaphore, #tpu.memory_space<semaphore_mem>>)
      } else {
      }
      %add3A_56 = arith.constant 2 : i32
      %add3A_57 = arith.addi %add3A_50, %add3A_56 : i32
      %lt3A_58 = arith.constant 100 : i32
      %lt3A_59 = arith.cmpi slt, %add3A_57, %lt3A_58 : i32
      %convert_element_type3A_60 = arith.extui %lt3A_59 : i1 to i32
      %cond3A_61 = arith.constant 0 : i32
      %cond3A_62 = arith.cmpi ne, %convert_element_type3A_60, %cond3A_61 : i32
      scf.if %cond3A_62 {
        %add3A_79 = arith.constant 2 : i32
        %add3A_80 = arith.addi %add3A_50, %add3A_79 : i32
        %mul3A_81 = arith.constant 256 : i32
        %mul3A_82 = arith.muli %add3A_80, %mul3A_81 : i32
        %add3A_83 = arith.addi %mul3A_2, %mul3A_82 : i32
        "tpu.region"() ({
          %run_scoped3A = tpu.sem_alloc : memref<!tpu.dma_semaphore, #tpu.memory_space<semaphore_mem>>
          %dma_start3A_91 = tpu.memref_slice %arg3[%add3A_83] : memref<819200xi32, #tpu.memory_space<hbm>> -> memref<256xi32, #tpu.memory_space<hbm>>
          %dma_start3A_92 = tpu.memref_slice %arg3[%add3A_83] : memref<819200xi32, #tpu.memory_space<hbm>> -> memref<256xi32, #tpu.memory_space<hbm>>
          tpu.enqueue_dma source(%dma_start3A_92 : memref<256xi32, #tpu.memory_space<hbm>>) target(%arg5 : memref<256xi32, #tpu.memory_space<vmem>>) target_semaphore(%run_scoped3A : memref<!tpu.dma_semaphore, #tpu.memory_space<semaphore_mem>>)
          %dma_wait3A_93 = tpu.memref_slice %arg3[%add3A_83] : memref<819200xi32, #tpu.memory_space<hbm>> -> memref<256xi32, #tpu.memory_space<hbm>>
          %dma_wait3A_94 = tpu.memref_slice %arg3[%add3A_83] : memref<819200xi32, #tpu.memory_space<hbm>> -> memref<256xi32, #tpu.memory_space<hbm>>
          tpu.wait_dma2 semaphore(%run_scoped3A : memref<!tpu.dma_semaphore, #tpu.memory_space<semaphore_mem>>) src(%dma_wait3A_94 : memref<256xi32, #tpu.memory_space<hbm>>) dst(%arg5 : memref<256xi32, #tpu.memory_space<vmem>>)
          tpu.yield
        }) : () -> ()
        %ge3A = arith.constant 1 : i32
        %ge3A_84 = arith.cmpi sge, %add3A_50, %ge3A : i32
        %convert_element_type3A_85 = arith.extui %ge3A_84 : i1 to i32
        %cond3A_86 = arith.constant 0 : i32
        %cond3A_87 = arith.cmpi ne, %convert_element_type3A_85, %cond3A_86 : i32
        scf.if %cond3A_87 {
          %sub3A = arith.constant 1 : i32
          %sub3A_91 = arith.subi %add3A_50, %sub3A : i32
          %mul3A_92 = arith.constant 256 : i32
          %mul3A_93 = arith.muli %sub3A_91, %mul3A_92 : i32
          %add3A_94 = arith.addi %mul3A_2, %mul3A_93 : i32
          %dma_wait3A_95 = arith.constant 0 : i32
          %dma_wait3A_96 = tpu.memref_slice %arg4[%add3A_94, %dma_wait3A_95] : memref<819200x128xf32, #tpu.memory_space<hbm>> -> memref<256x128xf32, #tpu.memory_space<hbm>>
          %dma_wait3A_97 = arith.constant 0 : i32
          %dma_wait3A_98 = tpu.memref_slice %arg4[%add3A_94, %dma_wait3A_97] : memref<819200x128xf32, #tpu.memory_space<hbm>> -> memref<256x128xf32, #tpu.memory_space<hbm>>
          tpu.wait_dma2 semaphore(%arg14 : memref<!tpu.dma_semaphore, #tpu.memory_space<semaphore_mem>>) src(%arg8 : memref<256x128xf32, #tpu.memory_space<vmem>>) dst(%dma_wait3A_98 : memref<256x128xf32, #tpu.memory_space<hbm>>)
        } else {
        }
        %dma_start3A_88 = arith.constant 0 : i32
        %dma_start3A_89 = arith.constant 0 : i32
        %dma_start3A_90 = tpu.memref_slice %arg2[%dma_start3A_88, %dma_start3A_89] : memref<200000x128xf32, #tpu.memory_space<hbm>> -> memref<200000x128xf32, #tpu.memory_space<hbm>>
        tpu.enqueue_indirect_dma source(%dma_start3A_90 : memref<200000x128xf32, #tpu.memory_space<hbm>>) target(%arg8 : memref<256x128xf32, #tpu.memory_space<vmem>>) offsets(%arg5 : memref<256xi32, #tpu.memory_space<vmem>>) semaphore(%arg11 : memref<!tpu.dma_semaphore, #tpu.memory_space<semaphore_mem>>)
      } else {
      }
      %mul3A_63 = arith.constant 3 : i32
      %mul3A_64 = arith.muli %mul3A_63, %add3A_35 : i32
      %add3A_65 = arith.constant 2 : i32
      %add3A_66 = arith.addi %mul3A_64, %add3A_65 : i32
      %lt3A_67 = arith.constant 100 : i32
      %lt3A_68 = arith.cmpi slt, %add3A_66, %lt3A_67 : i32
      %convert_element_type3A_69 = arith.extui %lt3A_68 : i1 to i32
      %cond3A_70 = arith.constant 0 : i32
      %cond3A_71 = arith.cmpi ne, %convert_element_type3A_69, %cond3A_70 : i32
      scf.if %cond3A_71 {
        %dma_wait3A_79 = arith.constant 0 : i32
        %dma_wait3A_80 = arith.constant 0 : i32
        %dma_wait3A_81 = tpu.memref_slice %arg2[%dma_wait3A_79, %dma_wait3A_80] : memref<200000x128xf32, #tpu.memory_space<hbm>> -> memref<200000x128xf32, #tpu.memory_space<hbm>>
        tpu.wait_indirect_dma semaphore(%arg13 : memref<!tpu.dma_semaphore, #tpu.memory_space<semaphore_mem>>) src(%dma_wait3A_81 : memref<200000x128xf32, #tpu.memory_space<hbm>>) dst(%arg10 : memref<256x128xf32, #tpu.memory_space<vmem>>)
        %mul3A_82 = arith.constant 256 : i32
        %mul3A_83 = arith.muli %add3A_66, %mul3A_82 : i32
        %add3A_84 = arith.addi %mul3A_2, %mul3A_83 : i32
        %dma_start3A_85 = arith.constant 0 : i32
        %dma_start3A_86 = tpu.memref_slice %arg4[%add3A_84, %dma_start3A_85] : memref<819200x128xf32, #tpu.memory_space<hbm>> -> memref<256x128xf32, #tpu.memory_space<hbm>>
        %dma_start3A_87 = arith.constant 0 : i32
        %dma_start3A_88 = tpu.memref_slice %arg4[%add3A_84, %dma_start3A_87] : memref<819200x128xf32, #tpu.memory_space<hbm>> -> memref<256x128xf32, #tpu.memory_space<hbm>>
        tpu.enqueue_dma source(%arg10 : memref<256x128xf32, #tpu.memory_space<vmem>>) target(%dma_start3A_88 : memref<256x128xf32, #tpu.memory_space<hbm>>) target_semaphore(%arg16 : memref<!tpu.dma_semaphore, #tpu.memory_space<semaphore_mem>>)
      } else {
      }
      %add3A_72 = arith.constant 2 : i32
      %add3A_73 = arith.addi %add3A_66, %add3A_72 : i32
      %lt3A_74 = arith.constant 100 : i32
      %lt3A_75 = arith.cmpi slt, %add3A_73, %lt3A_74 : i32
      %convert_element_type3A_76 = arith.extui %lt3A_75 : i1 to i32
      %cond3A_77 = arith.constant 0 : i32
      %cond3A_78 = arith.cmpi ne, %convert_element_type3A_76, %cond3A_77 : i32
      scf.if %cond3A_78 {
        %add3A_79 = arith.constant 2 : i32
        %add3A_80 = arith.addi %add3A_66, %add3A_79 : i32
        %mul3A_81 = arith.constant 256 : i32
        %mul3A_82 = arith.muli %add3A_80, %mul3A_81 : i32
        %add3A_83 = arith.addi %mul3A_2, %mul3A_82 : i32
        "tpu.region"() ({
          %run_scoped3A = tpu.sem_alloc : memref<!tpu.dma_semaphore, #tpu.memory_space<semaphore_mem>>
          %dma_start3A_91 = tpu.memref_slice %arg3[%add3A_83] : memref<819200xi32, #tpu.memory_space<hbm>> -> memref<256xi32, #tpu.memory_space<hbm>>
          %dma_start3A_92 = tpu.memref_slice %arg3[%add3A_83] : memref<819200xi32, #tpu.memory_space<hbm>> -> memref<256xi32, #tpu.memory_space<hbm>>
          tpu.enqueue_dma source(%dma_start3A_92 : memref<256xi32, #tpu.memory_space<hbm>>) target(%arg6 : memref<256xi32, #tpu.memory_space<vmem>>) target_semaphore(%run_scoped3A : memref<!tpu.dma_semaphore, #tpu.memory_space<semaphore_mem>>)
          %dma_wait3A_93 = tpu.memref_slice %arg3[%add3A_83] : memref<819200xi32, #tpu.memory_space<hbm>> -> memref<256xi32, #tpu.memory_space<hbm>>
          %dma_wait3A_94 = tpu.memref_slice %arg3[%add3A_83] : memref<819200xi32, #tpu.memory_space<hbm>> -> memref<256xi32, #tpu.memory_space<hbm>>
          tpu.wait_dma2 semaphore(%run_scoped3A : memref<!tpu.dma_semaphore, #tpu.memory_space<semaphore_mem>>) src(%dma_wait3A_94 : memref<256xi32, #tpu.memory_space<hbm>>) dst(%arg6 : memref<256xi32, #tpu.memory_space<vmem>>)
          tpu.yield
        }) : () -> ()
        %ge3A = arith.constant 1 : i32
        %ge3A_84 = arith.cmpi sge, %add3A_66, %ge3A : i32
        %convert_element_type3A_85 = arith.extui %ge3A_84 : i1 to i32
        %cond3A_86 = arith.constant 0 : i32
        %cond3A_87 = arith.cmpi ne, %convert_element_type3A_85, %cond3A_86 : i32
        scf.if %cond3A_87 {
          %sub3A = arith.constant 1 : i32
          %sub3A_91 = arith.subi %add3A_66, %sub3A : i32
          %mul3A_92 = arith.constant 256 : i32
          %mul3A_93 = arith.muli %sub3A_91, %mul3A_92 : i32
          %add3A_94 = arith.addi %mul3A_2, %mul3A_93 : i32
          %dma_wait3A_95 = arith.constant 0 : i32
          %dma_wait3A_96 = tpu.memref_slice %arg4[%add3A_94, %dma_wait3A_95] : memref<819200x128xf32, #tpu.memory_space<hbm>> -> memref<256x128xf32, #tpu.memory_space<hbm>>
          %dma_wait3A_97 = arith.constant 0 : i32
          %dma_wait3A_98 = tpu.memref_slice %arg4[%add3A_94, %dma_wait3A_97] : memref<819200x128xf32, #tpu.memory_space<hbm>> -> memref<256x128xf32, #tpu.memory_space<hbm>>
          tpu.wait_dma2 semaphore(%arg15 : memref<!tpu.dma_semaphore, #tpu.memory_space<semaphore_mem>>) src(%arg9 : memref<256x128xf32, #tpu.memory_space<vmem>>) dst(%dma_wait3A_98 : memref<256x128xf32, #tpu.memory_space<hbm>>)
        } else {
        }
        %dma_start3A_88 = arith.constant 0 : i32
        %dma_start3A_89 = arith.constant 0 : i32
        %dma_start3A_90 = tpu.memref_slice %arg2[%dma_start3A_88, %dma_start3A_89] : memref<200000x128xf32, #tpu.memory_space<hbm>> -> memref<200000x128xf32, #tpu.memory_space<hbm>>
        tpu.enqueue_indirect_dma source(%dma_start3A_90 : memref<200000x128xf32, #tpu.memory_space<hbm>>) target(%arg9 : memref<256x128xf32, #tpu.memory_space<vmem>>) offsets(%arg6 : memref<256xi32, #tpu.memory_space<vmem>>) semaphore(%arg12 : memref<!tpu.dma_semaphore, #tpu.memory_space<semaphore_mem>>)
      } else {
      }
    }
    %scan3A_13 = arith.constant 34 : i32
    %add3A_14 = arith.constant 24832 : i32
    %add3A_15 = arith.addi %mul3A_2, %add3A_14 : i32
    %dma_wait3A = arith.constant 0 : i32
    %dma_wait3A_16 = tpu.memref_slice %arg4[%add3A_15, %dma_wait3A] : memref<819200x128xf32, #tpu.memory_space<hbm>> -> memref<256x128xf32, #tpu.memory_space<hbm>>
    %dma_wait3A_17 = arith.constant 0 : i32
    %dma_wait3A_18 = tpu.memref_slice %arg4[%add3A_15, %dma_wait3A_17] : memref<819200x128xf32, #tpu.memory_space<hbm>> -> memref<256x128xf32, #tpu.memory_space<hbm>>
    tpu.wait_dma2 semaphore(%arg15 : memref<!tpu.dma_semaphore, #tpu.memory_space<semaphore_mem>>) src(%arg9 : memref<256x128xf32, #tpu.memory_space<vmem>>) dst(%dma_wait3A_18 : memref<256x128xf32, #tpu.memory_space<hbm>>)
    %add3A_19 = arith.constant 25088 : i32
    %add3A_20 = arith.addi %mul3A_2, %add3A_19 : i32
    %dma_wait3A_21 = arith.constant 0 : i32
    %dma_wait3A_22 = tpu.memref_slice %arg4[%add3A_20, %dma_wait3A_21] : memref<819200x128xf32, #tpu.memory_space<hbm>> -> memref<256x128xf32, #tpu.memory_space<hbm>>
    %dma_wait3A_23 = arith.constant 0 : i32
    %dma_wait3A_24 = tpu.memref_slice %arg4[%add3A_20, %dma_wait3A_23] : memref<819200x128xf32, #tpu.memory_space<hbm>> -> memref<256x128xf32, #tpu.memory_space<hbm>>
    tpu.wait_dma2 semaphore(%arg16 : memref<!tpu.dma_semaphore, #tpu.memory_space<semaphore_mem>>) src(%arg10 : memref<256x128xf32, #tpu.memory_space<vmem>>) dst(%dma_wait3A_24 : memref<256x128xf32, #tpu.memory_space<hbm>>)
    %add3A_25 = arith.constant 25344 : i32
    %add3A_26 = arith.addi %mul3A_2, %add3A_25 : i32
    %dma_wait3A_27 = arith.constant 0 : i32
    %dma_wait3A_28 = tpu.memref_slice %arg4[%add3A_26, %dma_wait3A_27] : memref<819200x128xf32, #tpu.memory_space<hbm>> -> memref<256x128xf32, #tpu.memory_space<hbm>>
    %dma_wait3A_29 = arith.constant 0 : i32
    %dma_wait3A_30 = tpu.memref_slice %arg4[%add3A_26, %dma_wait3A_29] : memref<819200x128xf32, #tpu.memory_space<hbm>> -> memref<256x128xf32, #tpu.memory_space<hbm>>
    tpu.wait_dma2 semaphore(%arg14 : memref<!tpu.dma_semaphore, #tpu.memory_space<semaphore_mem>>) src(%arg8 : memref<256x128xf32, #tpu.memory_space<vmem>>) dst(%dma_wait3A_30 : memref<256x128xf32, #tpu.memory_space<hbm>>)
    return
  }
}

module attributes {stable_mosaic.version = 14 : i64} {
  func.func @_table_body(%arg0: i32, %arg1: memref<2000x128xf32, #tpu.memory_space<vmem>>, %arg2: memref<2000x768xf32, #tpu.memory_space<vmem>>, %arg3: memref<2000x768xf32, #tpu.memory_space<vmem>>, %arg4: memref<768x128xf32, #tpu.memory_space<vmem>>, %arg5: memref<768x128xf32, #tpu.memory_space<vmem>>, %arg6: memref<1x128xf32, #tpu.memory_space<vmem>>, %arg7: memref<2x128xf32, #tpu.memory_space<vmem>>, %arg8: memref<128x128xi32, #tpu.memory_space<vmem>>, %arg9: memref<128x128xi32, #tpu.memory_space<vmem>>, %arg10: memref<2x2000x128xf32, #tpu.memory_space<vmem>>, %arg11: memref<128x128xi32, #tpu.memory_space<vmem>>) attributes {dimension_semantics = [#tpu.dimension_semantics<parallel>], iteration_bounds = array<i64: 50>, scalar_prefetch = 0 : i64, scratch_operands = 0 : i64, tpu.core_type = #tpu.core_type<tc>, window_params = [{transform_indices = @transform_0, window_bounds = array<i64: 2000, 128>}, {transform_indices = @transform_1, window_bounds = array<i64: 2000, 768>}, {transform_indices = @transform_2, window_bounds = array<i64: 2000, 768>}, {pipeline_mode = #tpu.pipeline_mode<synchronous>, transform_indices = @transform_3, window_bounds = array<i64: 768, 128>}, {pipeline_mode = #tpu.pipeline_mode<synchronous>, transform_indices = @transform_4, window_bounds = array<i64: 768, 128>}, {pipeline_mode = #tpu.pipeline_mode<synchronous>, transform_indices = @transform_5, window_bounds = array<i64: 1, 128>}, {pipeline_mode = #tpu.pipeline_mode<synchronous>, transform_indices = @transform_6, window_bounds = array<i64: 2, 128>}, {transform_indices = @transform_7, window_bounds = array<i64: 128, 128>}, {transform_indices = @transform_8, window_bounds = array<i64: 128, 128>}, {transform_indices = @transform_9, window_bounds = array<i64: 2, 2000, 128>}, {transform_indices = @transform_10, window_bounds = array<i64: 128, 128>}]} {
    %get3A = arith.constant 0 : index
    %get3A_0 = arith.constant 0 : index
    %get3A_1 = vector.load %arg1[%get3A, %get3A_0] : memref<2000x128xf32, #tpu.memory_space<vmem>>, vector<2000x128xf32>
    %get3A_2 = arith.constant 0 : index
    %get3A_3 = arith.constant 0 : index
    %get3A_4 = vector.load %arg2[%get3A_2, %get3A_3] : memref<2000x768xf32, #tpu.memory_space<vmem>>, vector<2000x768xf32>
    %convert_element_type3A = arith.truncf %get3A_4 : vector<2000x768xf32> to vector<2000x768xbf16>
    %get3A_5 = arith.constant 0 : index
    %get3A_6 = arith.constant 0 : index
    %get3A_7 = vector.load %arg4[%get3A_5, %get3A_6] : memref<768x128xf32, #tpu.memory_space<vmem>>, vector<768x128xf32>
    %convert_element_type3A_8 = arith.truncf %get3A_7 : vector<768x128xf32> to vector<768x128xbf16>
    %dot_general3A = arith.constant dense<0.000000e+00> : vector<2000x128xf32>
    %dot_general3A_9 = tpu.matmul %convert_element_type3A, %convert_element_type3A_8, %dot_general3A {dimension_numbers = #tpu.dot_dimension_numbers<[1], [0], [0], [1], [0, 0, 1, 1], [], []>, transpose_lhs_hint = false} : vector<2000x768xbf16>, vector<768x128xbf16>, vector<2000x128xf32> -> vector<2000x128xf32>
    %add3A = arith.addf %get3A_1, %dot_general3A_9 : vector<2000x128xf32>
    %get3A_10 = arith.constant 0 : index
    %get3A_11 = arith.constant 0 : index
    %get3A_12 = vector.load %arg3[%get3A_10, %get3A_11] : memref<2000x768xf32, #tpu.memory_space<vmem>>, vector<2000x768xf32>
    %convert_element_type3A_13 = arith.truncf %get3A_12 : vector<2000x768xf32> to vector<2000x768xbf16>
    %get3A_14 = arith.constant 0 : index
    %get3A_15 = arith.constant 0 : index
    %get3A_16 = vector.load %arg5[%get3A_14, %get3A_15] : memref<768x128xf32, #tpu.memory_space<vmem>>, vector<768x128xf32>
    %convert_element_type3A_17 = arith.truncf %get3A_16 : vector<768x128xf32> to vector<768x128xbf16>
    %dot_general3A_18 = arith.constant dense<0.000000e+00> : vector<2000x128xf32>
    %dot_general3A_19 = tpu.matmul %convert_element_type3A_13, %convert_element_type3A_17, %dot_general3A_18 {dimension_numbers = #tpu.dot_dimension_numbers<[1], [0], [0], [1], [0, 0, 1, 1], [], []>, transpose_lhs_hint = false} : vector<2000x768xbf16>, vector<768x128xbf16>, vector<2000x128xf32> -> vector<2000x128xf32>
    %add3A_20 = arith.addf %add3A, %dot_general3A_19 : vector<2000x128xf32>
    %get3A_21 = arith.constant 0 : index
    %get3A_22 = arith.constant 0 : index
    %get3A_23 = vector.load %arg6[%get3A_21, %get3A_22] : memref<1x128xf32, #tpu.memory_space<vmem>>, vector<1x128xf32>
    %add3A_24 = vector.broadcast %get3A_23 : vector<1x128xf32> to vector<2000x128xf32>
    %add3A_25 = arith.addf %add3A_20, %add3A_24 : vector<2000x128xf32>
    %get3A_26 = arith.constant 0 : index
    %get3A_27 = arith.constant 0 : index
    %get3A_28 = vector.load %arg7[%get3A_26, %get3A_27] : memref<2x128xf32, #tpu.memory_space<vmem>>, vector<1x128xf32>
    %add3A_29 = vector.broadcast %get3A_28 : vector<1x128xf32> to vector<2000x128xf32>
    %add3A_30 = arith.addf %add3A_25, %add3A_29 : vector<2000x128xf32>
    %swap3A = arith.constant 0 : index
    %swap3A_31 = arith.constant 0 : index
    %swap3A_32 = arith.constant 0 : index
    %swap3A_33 = vector.load %arg10[%swap3A, %swap3A_31, %swap3A_32] : memref<2x2000x128xf32, #tpu.memory_space<vmem>>, vector<1x2000x128xf32>
    %swap3A_34 = vector.shape_cast %swap3A_33 : vector<1x2000x128xf32> to vector<2000x128xf32>
    %swap3A_35 = vector.shape_cast %add3A_30 : vector<2000x128xf32> to vector<1x2000x128xf32>
    tpu.vector_store %arg10[%swap3A, %swap3A_31, %swap3A_32], %swap3A_35 {strides = array<i32>} : memref<2x2000x128xf32, #tpu.memory_space<vmem>>, vector<1x2000x128xf32>,
    %get3A_36 = arith.constant 1 : index
    %get3A_37 = arith.constant 0 : index
    %get3A_38 = vector.load %arg7[%get3A_36, %get3A_37] : memref<2x128xf32, #tpu.memory_space<vmem>>, vector<1x128xf32>
    %add3A_39 = vector.broadcast %get3A_38 : vector<1x128xf32> to vector<2000x128xf32>
    %add3A_40 = arith.addf %add3A_25, %add3A_39 : vector<2000x128xf32>
    %swap3A_41 = arith.constant 1 : index
    %swap3A_42 = arith.constant 0 : index
    %swap3A_43 = arith.constant 0 : index
    %swap3A_44 = vector.load %arg10[%swap3A_41, %swap3A_42, %swap3A_43] : memref<2x2000x128xf32, #tpu.memory_space<vmem>>, vector<1x2000x128xf32>
    %swap3A_45 = vector.shape_cast %swap3A_44 : vector<1x2000x128xf32> to vector<2000x128xf32>
    %swap3A_46 = vector.shape_cast %add3A_40 : vector<2000x128xf32> to vector<1x2000x128xf32>
    tpu.vector_store %arg10[%swap3A_41, %swap3A_42, %swap3A_43], %swap3A_46 {strides = array<i32>} : memref<2x2000x128xf32, #tpu.memory_space<vmem>>, vector<1x2000x128xf32>,
    %get3A_47 = arith.constant 0 : index
    %get3A_48 = arith.constant 0 : index
    %get3A_49 = vector.load %arg8[%get3A_47, %get3A_48] : memref<128x128xi32, #tpu.memory_space<vmem>>, vector<128x128xi32>
    %get3A_50 = arith.constant 0 : index
    %get3A_51 = arith.constant 0 : index
    %get3A_52 = vector.load %arg9[%get3A_50, %get3A_51] : memref<128x128xi32, #tpu.memory_space<vmem>>, vector<128x128xi32>
    %mul3A = arith.constant 100000 : i32
    %mul3A_53 = vector.broadcast %mul3A : i32 to vector<128x128xi32>
    %mul3A_54 = arith.muli %get3A_52, %mul3A_53 : vector<128x128xi32>
    %add3A_55 = arith.addi %get3A_49, %mul3A_54 : vector<128x128xi32>
    %swap3A_56 = arith.constant 0 : index
    %swap3A_57 = arith.constant 0 : index
    %swap3A_58 = vector.load %arg11[%swap3A_56, %swap3A_57] : memref<128x128xi32, #tpu.memory_space<vmem>>, vector<128x128xi32>
    tpu.vector_store %arg11[%swap3A_56, %swap3A_57], %add3A_55 {strides = array<i32>} : memref<128x128xi32, #tpu.memory_space<vmem>>, vector<128x128xi32>,
    return
  }
  func.func @transform_0(%arg0: i32) -> (i32, i32) {
    %c0_i32 = arith.constant 0 : i32
    %c0_i32_0 = arith.constant 0 : i32
    return %arg0, %c0_i32 : i32, i32
  }
  func.func @transform_1(%arg0: i32) -> (i32, i32) {
    %c0_i32 = arith.constant 0 : i32
    %c0_i32_0 = arith.constant 0 : i32
    return %arg0, %c0_i32 : i32, i32
  }
  func.func @transform_2(%arg0: i32) -> (i32, i32) {
    %c0_i32 = arith.constant 0 : i32
    %c0_i32_0 = arith.constant 0 : i32
    return %arg0, %c0_i32 : i32, i32
  }
  func.func @transform_3(%arg0: i32) -> (i32, i32) {
    %c0_i32 = arith.constant 0 : i32
    %c0_i32_0 = arith.constant 0 : i32
    %c0_i32_1 = arith.constant 0 : i32
    return %c0_i32, %c0_i32_0 : i32, i32
  }
  func.func @transform_4(%arg0: i32) -> (i32, i32) {
    %c0_i32 = arith.constant 0 : i32
    %c0_i32_0 = arith.constant 0 : i32
    %c0_i32_1 = arith.constant 0 : i32
    return %c0_i32, %c0_i32_0 : i32, i32
  }
  func.func @transform_5(%arg0: i32) -> (i32, i32) {
    %c0_i32 = arith.constant 0 : i32
    %c0_i32_0 = arith.constant 0 : i32
    %c0_i32_1 = arith.constant 0 : i32
    return %c0_i32, %c0_i32_0 : i32, i32
  }
  func.func @transform_6(%arg0: i32) -> (i32, i32) {
    %c0_i32 = arith.constant 0 : i32
    %c0_i32_0 = arith.constant 0 : i32
    %c0_i32_1 = arith.constant 0 : i32
    return %c0_i32, %c0_i32_0 : i32, i32
  }
  func.func @transform_7(%arg0: i32) -> (i32, i32) {
    %c0_i32 = arith.constant 0 : i32
    %c0_i32_0 = arith.constant 0 : i32
    return %arg0, %c0_i32 : i32, i32
  }
  func.func @transform_8(%arg0: i32) -> (i32, i32) {
    %c0_i32 = arith.constant 0 : i32
    %c0_i32_0 = arith.constant 0 : i32
    return %arg0, %c0_i32 : i32, i32
  }
  func.func @transform_9(%arg0: i32) -> (i32, i32, i32) {
    %c0_i32 = arith.constant 0 : i32
    %c0_i32_0 = arith.constant 0 : i32
    %c0_i32_1 = arith.constant 0 : i32
    return %c0_i32, %arg0, %c0_i32_0 : i32, i32, i32
  }
  func.func @transform_10(%arg0: i32) -> (i32, i32) {
    %c0_i32 = arith.constant 0 : i32
    %c0_i32_0 = arith.constant 0 : i32
    return %arg0, %c0_i32 : i32, i32
  }
}

</mosaic_0001>

<sc_bundles>
// kernel: kernel.4.cloned.1.call-start
scs
__scs_entry_jumppad:
0x0: {  	(pc) =	sbr.rel $0x88, $3  }
0x1: {  	(tag) =	ssettag $0x0;
	lr =	simm.s32 $0x1  }
0x2: {  	[smem:$0x3F97] =	sst lr;
	_ =	strace $0xD0000000  }
0x3: {  	_ = 	snop  }
0x4: {  	_ = 	snop  }
0x5: {  	_ = 	snop  }
0x6: {  	_ = 	snop  }
0x7: {  	_ = 	snop  }
__scs_overlays_trampoline_lowered:
0x8: {  	[smem:$0x3FA6] =	sst s0  }
0x9: {  	[smem:$0x3FA7] =	sst s1  }
0xa: {  	[smem:$0x3FA8] =	sst s2  }
0xb: {  	[smem:$0x3FA9] =	sst s3  }
0xc: {  	[smem:$0x3FAA] =	sst s4  }
0xd: {  	[smem:$0x3FAB] =	sst s5  }
0xe: {  	[smem:$0x3FAC] =	sst s6  }
0xf: {  	[smem:$0x3FAD] =	sst s7  }
0x10: {  	[smem:$0x3FAE] =	sst s8  }
0x11: {  	[smem:$0x3FAF] =	sst s9;
	s0 =	simm.s32 @!p0 $0x0  }
0x12: {  	s1 =	sld [smem:$0x3F95];
	s0 =	simm.s32 @p0 $0x1  }
0x13: {  	[smem:$0x3FB0] =	sst s0;
	s0 =	simm.s32 @!p1 $0x0  }
0x14: {  	s2 =	sld [smem:$0x3F94];
	s0 =	simm.s32 @p1 $0x1  }
0x15: {  	[smem:$0x3FB1] =	sst s0;
	s0 =	simm.s32 @!p2 $0x0  }
0x16: {  	s3 =	sld [smem:$0x3FDB];
	s0 =	simm.s32 @p2 $0x1  }
0x17: {  	s4 =	simm.s32 $0x1BF5;
	[smem:$0x3FB3] =	sst s0  }
0x18: {  	s0 =	sld [smem:$0x3F96];
	_ =	swait.ge [sflag:s4], $0x0  }
0x19: {  	s7 =	sld [smem:$0x3F97]  }
0x1a: {  	s8 =	sadd.s32 $0xFFFFE003, lr  }
0x1b: {  	s9 =	sadd.s32 $0xFFFFFEF7, lr;
	s5 =	simm.s32 $0xFFFFFFFF;
	p2 =	slt.u32 s8, $0xFFFFF086  }
0x1c: {  	p1 =	slt.u32 s9, $0xF7A;
	s5 =	simm.s32 @!p2 $0x0  }
0x1d: {  	s5 =	simm.s32 @p1 $0x1;
	p0 =	seq.s32 s7, s2  }
0x1e: {  	s7 =	smul.u32 @!p0 $0xF7A, s2;
	p2 =	seq.s32 @!p0 s5, $0x0  }
0x1f: {  	s9 =	smul.u32 $0xF7A, s1;
	s8 =	simm.s32 @!p0 $0x1BF5;
	p2 =	por !p2, p0  }
0x20: {  	[sflag:s8] =	ssyncset.s32 @!p0 $0xFFFFF086;
	s6 =	sadd.s32 @!p0 s3, s7;
	s7 =	simm.s32 @!p0 $0x108  }
0x21: {  	s3 =	sadd.s32 s3, s9;
	s6 =	sadd.s32 @!p0 $0x88, s6;
	s7 =	simm.s32 @p2 $0x1082  }
0x22: {  	[simem:s7], [sflag:s8] =	dma.local @!p0 [hbm:s6], $0xF7A  }
0x23: {  	s9 =	sor.u32 $0xD0000000, s2;
	s6 =	simm.s32 $0x108;
	_ =	swait.ge @!p0 [sflag:s8], $0x0  }
0x24: {  	s3 =	sadd.s32 $0x88, s3;
	s6 =	simm.s32 @!p1 $0x1082;
	[sflag:s4] =	ssyncset.s32 $0xFFFFF086  }
0x25: {  	[simem:s6], [sflag:s4] =	dma.local [hbm:s3], $0xF7A  }
0x26: {  	[smem:$0x3F97] =	sst s1;
	(tag) =	ssettag s2;
	_ =	strace s9  }
0x27: {  	s1 =	sld [smem:$0x3FA7]  }
0x28: {  	s2 =	sld [smem:$0x3FA8]  }
0x29: {  	s4 =	sld [smem:$0x3FAA]  }
0x2a: {  	p0 =	seq.s32 s5, $0x0;
	s5 =	sld [smem:$0x3FAB]  }
0x2b: {  	s6 =	sld [smem:$0x3FAC]  }
0x2c: {  	s7 =	sld [smem:$0x3FAD]  }
0x2d: {  	s3 =	simm.s32 $0x108;
	s8 =	sld [smem:$0x3FAE]  }
0x2e: {  	s3 =	simm.s32 @!p0 $0x1082;
	s9 =	sld [smem:$0x3FAF]  }
0x2f: {  	lr =	sadd.s32 s0, s3;
	s0 =	sld [smem:$0x3FA6]  }
0x30: {  	s3 =	sld [smem:$0x3FA9]  }
0x31: {  	[smem:$0x3FB2] =	sst s10  }
0x32: {  	s10 =	sld [smem:$0x3FB0];
	_ =	sdelay $0x3  }
0x33: {  	p0 =	seq.s32 s10, $0x1;
	s10 =	sld [smem:$0x3FB2];
	_ =	sdelay $0x3  }
0x34: {  	[smem:$0x3FB2] =	sst s10  }
0x35: {  	s10 =	sld [smem:$0x3FB1];
	_ =	sdelay $0x3  }
0x36: {  	p1 =	seq.s32 s10, $0x1;
	s10 =	sld [smem:$0x3FB2];
	_ =	sdelay $0x3  }
0x37: {  	[smem:$0x3FB2] =	sst s10  }
0x38: {  	s10 =	sld [smem:$0x3FB3]  }
0x39: {  	_ = 	snop;
	(pc) =	sbr.ind lr, $3  }
0x3a: {  	_ = 	snop  }
0x3b: {  	_ = 	snop  }
0x3c: {  	p2 =	seq.s32 s10, $0x1;
	s10 =	sld [smem:$0x3FB2]  }
0x3d: {  	_ =	shalt  }
0x3e: {  	_ =	shalt  }
0x3f: {  	_ =	shalt  }
0x40: {  	_ =	shalt  }
0x41: {  	_ =	shalt  }
0x42: {  	_ =	shalt  }
0x43: {  	_ =	shalt  }
0x44: {  	_ =	shalt  }
0x45: {  	_ =	shalt  }
0x46: {  	_ =	shalt  }
0x47: {  	_ =	shalt  }
0x48: {  	_ =	shalt  }
0x49: {  	_ =	shalt  }
0x4a: {  	_ =	shalt  }
0x4b: {  	_ =	shalt  }
0x4c: {  	_ =	shalt  }
0x4d: {  	_ =	shalt  }
0x4e: {  	_ =	shalt  }
0x4f: {  	_ =	shalt  }
0x50: {  	_ =	shalt  }
0x51: {  	_ =	shalt  }
0x52: {  	_ =	shalt  }
0x53: {  	_ =	shalt  }
0x54: {  	_ =	shalt  }
0x55: {  	_ =	shalt  }
0x56: {  	_ =	shalt  }
0x57: {  	_ =	shalt  }
0x58: {  	_ =	shalt  }
0x59: {  	_ =	shalt  }
0x5a: {  	_ =	shalt  }
0x5b: {  	_ =	shalt  }
0x5c: {  	_ =	shalt  }
0x5d: {  	_ =	shalt  }
0x5e: {  	_ =	shalt  }
0x5f: {  	_ =	shalt  }
0x60: {  	_ =	shalt  }
0x61: {  	_ =	shalt  }
0x62: {  	_ =	shalt  }
0x63: {  	_ =	shalt  }
0x64: {  	_ =	shalt  }
0x65: {  	_ =	shalt  }
0x66: {  	_ =	shalt  }
0x67: {  	_ =	shalt  }
0x68: {  	_ =	shalt  }
0x69: {  	_ =	shalt  }
0x6a: {  	_ =	shalt  }
0x6b: {  	_ =	shalt  }
0x6c: {  	_ =	shalt  }
0x6d: {  	_ =	shalt  }
0x6e: {  	_ =	shalt  }
0x6f: {  	_ =	shalt  }
0x70: {  	_ =	shalt  }
0x71: {  	_ =	shalt  }
0x72: {  	_ =	shalt  }
0x73: {  	_ =	shalt  }
0x74: {  	_ =	shalt  }
0x75: {  	_ =	shalt  }
0x76: {  	_ =	shalt  }
0x77: {  	_ =	shalt  }
0x78: {  	_ =	shalt  }
0x79: {  	_ =	shalt  }
0x7a: {  	_ =	shalt  }
0x7b: {  	_ =	shalt  }
0x7c: {  	_ =	shalt  }
0x7d: {  	_ =	shalt  }
0x7e: {  	_ =	shalt  }
0x7f: {  	_ =	shalt  }
0x80: {  	_ =	shalt  }
0x81: {  	_ =	shalt  }
0x82: {  	_ =	shalt  }
0x83: {  	_ =	shalt  }
0x84: {  	_ =	shalt  }
0x85: {  	_ =	shalt  }
0x86: {  	_ =	shalt  }
0x87: {  	_ =	shalt  }
.Lfunc_end0:
.L_simem_size_0:
called_computation_lowered:
.L_overlay_start_0:
0x88: {  	s2 =	sld [smem:$0x3FD9]  }
0x89: {  	s3 =	sld [smem:$0x3FFE];
	_ =	sdelay $0x1  }
0x8a: {  	s1 =	srdreg.scid  }
0x8b: {  	s0 =	sand.u32 $0x1, s1  }
0x8c: {  	s17 =	sshll.u32 s0, $0xA;
	s2 =	sadd.s32 s3, s2  }
0x8d: {  	s2 =	sadd.s32 s2, s17  }
0x8e: {  	[smem:$0x3FBE] =	sst s2  }
0x8f: {  	_ = 	snop  }
0x90: {  	s2 =	sld [smem:$0x3FD0];
	(tm) =	ssettm $0x1  }
0x91: {  	s18 =	sld [smem:$0x3FFB];
	_ =	sdelay $0x3  }
0x92: {  	_ =	strace s18  }
0x93: {  	s3 =	sld [smem:$0x3FFC];
	_ =	sdelay $0x3  }
0x94: {  	_ =	strace s3  }
0x95: {  	s3 =	sld [smem:$0x3FFD];
	_ =	sdelay $0x3  }
0x96: {  	_ =	strace s3  }
0x97: {  	_ =	strace $0x8FFFFFFF  }
0x98: {  	s19 =	sld [smem:$0x3FDB];
	_ =	sdelay $0x1  }
0x99: {  	s4 =	simm.s32 $_scs_section_size  }
0x9a: {  	s5 =	simm.s32 $_size__tile_overlayer_lowered;
	s6 =	simm.s32 $_tile_overlayer_lowered  }
0x9b: {  	s22 =	simm.s32 $0x1BFF;
	s21 =	sshll.u32 s6, $0x1;
	s3 =	sadd.s32 s4, s19  }
0x9c: {  	s7 =	simm.s32 $0x0;
	s20 =	sshll.u32 s5, $0x1;
	s5 =	sadd.s32 s21, s3  }
0x9d: {  	[timem:s7], [sflag:s22] =	dma.local [hbm:s5], s20  }
0x9e: {  	_ =	swait.ge [sflag:s22], s20  }
0x9f: {  	s4 =	ssub.s32 $0x0, s20;
	[sflag:s22] =	ssyncset.done $0x0  }
0xa0: {  	[sflag:s22] =	ssyncadd.s32 s4;
	_ =	sdelay $0x1  }
0xa1: {  	s23 =	simm.s32 $0x1B8B  }
0xa2: {  	_ =	swait.ge [sflag:s23], $0x1  }
0xa3: {  	[sflag:s23] =	ssyncset.done $0x0  }
0xa4: {  	s25 =	simm.s32 $0x1B8E;
	s24 =	sld [smem:$0x3FFE];
	[sflag:s23] =	ssyncadd.s32 $0xFFFFFFFF  }
0xa5: {  	s26 =	simm.s32 $execute0_lowered;
	[smem:$0x3FD2] =	sst s25  }
0xa6: {  	s5 =	sshll.u32 s26, $0x1;
	_ =	strace $0x80000046;
	[dreg:$0x1] =	wrdreg $0xFFFFFFFF  }
0xa7: {  	s28 =	simm.s32 $_size_execute0_lowered;
	s3 =	sadd.s32 s3, s5;
	[dreg:$0x0] =	wrdreg $0x0  }
0xa8: {  	s5 =	sshll.u32 s28, $0x1;
	[dreg:$0x2] =	wrdreg s3  }
0xa9: {  	[dreg:$0x3] =	wrdreg s5  }
0xaa: {  	[dreg:$0x4] =	wrdreg $0xC0  }
0xab: {  	_ =	task [dreg:s7], $0x5FFFF  }
0xac: {  	[dreg:$0x1] =	wrdreg $0xFFFFFFFF  }
0xad: {  	[dreg:$0x0] =	wrdreg $0x60  }
0xae: {  	[dreg:$0x2] =	wrdreg s24  }
0xaf: {  	[dreg:$0x3] =	wrdreg s2  }
0xb0: {  	[dreg:$0x4] =	wrdreg $0x9  }
0xb1: {  	_ =	task.clear_ibuf [dreg:s7], $0x5FFFF;
	_ =	strace $0x90000046  }
0xb2: {  	s29 =	simm.s32 $0x9;
	_ =	strace $0x80000048  }
0xb3: {  	_ =	swait.ge [sflag:s29], $0x1  }
0xb4: {  	[sflag:s29] =	ssyncadd.s32 $0xFFFFFFFF  }
0xb5: {  	_ =	strace $0x90000048  }
0xb6: {  	_ =	sfence  }
0xb7: {  	s30 =	sld [smem:$0x0];
	_ =	sdelay $0x2  }
0xb8: {  	s31 =	sshll.u32 s1, $0xD;
	s1 =	sshrl.u32 s1, $0x2  }
0xb9: {  	s3 =	sand.u32 $0x4000, s31;
	s1 =	sadd.s32 s1, s30  }
0xba: {  	s0 =	sor.u32 s3, s0;
	s1 =	sshll.u32 s1, $0x11  }
0xbb: {  	s0 =	sor.u32 s1, s0  }
0xbc: {  	s0 =	sadd.s32 $0x8F2B, s0  }
0xbd: {  	[sflag:s0] =	ssyncadd.remote.s32 $0x1  }
0xbe: {  	_ =	sfence.sel $0xFFFF  }
0xbf: {  	[dreg:$0x0] =	wrdreg $0xFFFFFFFF;
	(pc) =	sbr.abs _section_cstart, $3  }
0xc0: {  	[dreg:$0x1] =	wrdreg $0xFFFFFFFF  }
0xc1: {  	_ =	task.clear_ibuf [dreg:s7], $0x2FFFF;
	_ =	strace $0x9FFFFFFF  }
0xc2: {  	(tm) =	ssettm $0x7FFFFFFF  }
0xc3: {  	_ =	shalt  }
tec
execute0_lowered:
.L_overlay_start_1:
0x0: {  	(tag) =	ssettag $0x1  }
0x1: {  	s4 =	rddreg [dreg:$0x0]  }
0x2: {  	s1 =	srdreg.scid;
	s0 =	stileid.u32  }
0x3: {  	s11 =	rddreg [dreg:$0x1];
	s2 =	simm.s32 $0x0;
	s16 =	simm.s32 $0x8300  }
0x4: {  	s17 =	simm.s32 $0x1;
	s18 =	simm.s32 $0x5;
	s6 =	smul.u32 $0x640000, s0  }
0x5: {  	s19 =	simm.s32 $0x6;
	s20 =	simm.s32 $0x4;
	s9 =	smul.u32 $0xC800, s0  }
0x6: {  	s21 =	simm.s32 $0x0;
	s10 =	sand.u32 $0x1, s1;
	s15 =	smul.u32 $0xC8000, s0  }
0x7: {  	s3 =	sshll.u32 s0, $0x1;
	[smem:$0x7FF] =	sst s2;
	s7 =	smul.u32 $0x320000, s10  }
0x8: {  	s12 =	sadd.s32 $0x30E800, s4;
	s3 =	sor.u32 s10, s3;
	s13 =	smul.u32 $0x6400, s10  }
0x9: {  	_ =	strace $0x80000047;
	s8 =	ssub.s32 $0x2, s10;
	s10 =	smul.u32 $0x64000, s10  }
0xa: {  	s5 =	smul.u32 $0x6400, s3;
	s3 =	sadd.s32 $0x1400, s4;
	s30 =	sshrl.u32 s8, $0x1  }
0xb: {  	s15 =	sadd.s32 s15, s11;
	s8 =	ssub.s32 s8, s30;
	s14 =	sadd.s32 s7, s6  }
0xc: {  	s13 =	sadd.s32 s13, s9;
	s10 =	sadd.s32 s10, s15;
	s15 =	simm.s32 $0x300  }
0xd: {  	s29 =	sshrl.u32 s5, $0x3;
	s6 =	smax.u32 s8, $0x1;
	s7 =	sor.u32 $0x8000, s14  }
0xe: {  	s31 =	sadd.s32 $0x400, s13;
	s9 =	sor.u32 $0x300, s13;
	s14 =	sor.u32 $0x10000, s14  }
0xf: {  	s13 =	sor.u32 $0x200, s13;
	s4 =	sadd.s32 s12, s29;
	s7 =	sshrl.u32 s7, $0x3  }
0x10: {  	s8 =	sshrl.u32 s31, $0x3;
	s9 =	sshrl.u32 s9, $0x3;
	s14 =	sshrl.u32 s14, $0x3  }
0x11: {  	s13 =	sshrl.u32 s13, $0x3;
	s5 =	sadd.s32 $0x20, s4;
	s7 =	sadd.s32 s7, s11  }
0x12: {  	s8 =	sadd.s32 s8, s12;
	s9 =	sadd.s32 s9, s12;
	s11 =	sadd.s32 s14, s11  }
0x13: {  	s12 =	sadd.s32 s13, s12;
	s13 =	simm.s32 $0x7;
	s14 =	simm.s32 $0x100  }
.LBB2_1:
0x14: {  	[tilespmem:s2], [sflag:$0x7] =	stream.linear.gather [hbm4b:s4+s2], $0x100, $0x38;
	[tilespmem:$0x18300] =	vst v63  }
0x15: {  	_ =	swait.ge [sflag:s13], $0x100  }
0x16: {  	[sflag:s13] =	ssyncset.done $0x0  }
0x17: {  	[sflag:s13] =	ssyncadd.s32 $0xFFFFFF00  }
0x18: {  	[tilespmem:s15], [sflag:$0x1] =	stream.indirect.gather [hbm4b:s3+s14], $0x80, s2, s14, $0xb8;
	[tilespmem:$0x18300] =	vst v63  }
0x19: {  	_ = 	snop  }
0x1a: {  	[tilespmem:s14], [sflag:$0x7] =	stream.linear.gather [hbm4b:s5+s2], $0x100, $0x38;
	[tilespmem:$0x18300] =	vst v63  }
0x1b: {  	s22 =	smov.u32 s12;
	_ =	swait.ge [sflag:s13], $0x100  }
0x1c: {  	s23 =	smov.u32 s9;
	s24 =	smov.u32 s8;
	[sflag:s13] =	ssyncset.done $0x0  }
0x1d: {  	s25 =	simm.s32 $0x0;
	s26 =	simm.s32 $0x0;
	[sflag:s13] =	ssyncadd.s32 $0xFFFFFF00  }
0x1e: {  	[tilespmem:s16], [sflag:$0x2] =	stream.indirect.gather [hbm4b:s3+s14], $0x80, s14, s14, $0xb8;
	[tilespmem:$0x18300] =	vst v63  }
.LBB2_2:
0x1f: {  	_ =	swait.ge [sflag:s17], $0x8000  }
0x20: {  	[sflag:s17] =	ssyncset.done $0x0  }
0x21: {  	s28 =	sadd.s32 s25, s10;
	p0 =	seq.s32 s25, $0x63000;
	[sflag:s17] =	ssyncadd.s32 $0xFFFF8000  }
0x22: {  	[hbm4b:s28+s2] =	stream.linear.scatter [tilespmem:s15], [sflag:$0x4], $0x8000, $0x38;
	[tilespmem:$0x18300] =	vst v63  }
0x23: {  	s29 =	simm.s32 @!p0 $0x200;
	s30 =	simm.s32 @!p0 $0x7;
	s28 =	simm.s32 @!p0 $0x0  }
0x24: {  	[tilespmem:s29], [sflag:$0x7] =	stream.linear.gather @!p0 [hbm4b:s22+s28], $0x100, $0x38;
	[tilespmem:$0x18300] =	vst v63  }
0x25: {  	p1 =	seq.s32 @!p0 s25, $0x0;
	_ =	swait.ge @!p0 [sflag:s30], $0x100  }
0x26: {  	p1 =	por p1, p0;
	[sflag:s30] =	ssyncset.done @!p0 $0x0  }
0x27: {  	s31 =	simm.s32 @!p1 $0x6;
	[sflag:s30] =	ssyncadd.s32 @!p0 $0xFFFFFF00  }
0x28: {  	_ =	swait.ge @!p1 [sflag:s31], $0x8000  }
0x29: {  	[sflag:s31] =	ssyncset.done @!p1 $0x0  }
0x2a: {  	s1 =	simm.s32 @!p0 $0x10300;
	[sflag:s31] =	ssyncadd.s32 @!p1 $0xFFFF8000;
	s31 =	simm.s32 @!p0 $0x100  }
0x2b: {  	[tilespmem:s1], [sflag:$0x3] =	stream.indirect.gather @!p0 [hbm4b:s3+s31], $0x80, s29, s31, $0xb8;
	[tilespmem:$0x18300] =	vst v63  }
0x2c: {  	s29 =	simm.s32 @!p0 $0x2  }
0x2d: {  	_ =	swait.ge @!p0 [sflag:s29], $0x8000  }
0x2e: {  	[sflag:s29] =	ssyncset.done @!p0 $0x0  }
0x2f: {  	s0 =	simm.s32 @!p0 $0x8300;
	[sflag:s29] =	ssyncadd.s32 @!p0 $0xFFFF8000;
	s29 =	sadd.s32 @!p0 s25, s7  }
0x30: {  	[hbm4b:s29+s28] =	stream.linear.scatter @!p0 [tilespmem:s0], [sflag:$0x5], $0x8000, $0x38;
	[tilespmem:$0x18300] =	vst v63  }
0x31: {  	_ = 	snop  }
0x32: {  	[tilespmem:s28], [sflag:$0x7] =	stream.linear.gather @!p0 [hbm4b:s23+s28], $0x100, $0x38;
	[tilespmem:$0x18300] =	vst v63  }
0x33: {  	_ =	swait.ge @!p0 [sflag:s30], $0x100  }
0x34: {  	[sflag:s30] =	ssyncset.done @!p0 $0x0  }
0x35: {  	s0 =	simm.s32 @!p0 $0x4;
	[sflag:s30] =	ssyncadd.s32 @!p0 $0xFFFFFF00  }
0x36: {  	_ =	swait.ge @!p0 [sflag:s0], $0x8000  }
0x37: {  	[sflag:s0] =	ssyncset.done @!p0 $0x0  }
0x38: {  	[sflag:s0] =	ssyncadd.s32 @!p0 $0xFFFF8000;
	s0 =	simm.s32 @!p0 $0x300  }
0x39: {  	[tilespmem:s0], [sflag:$0x1] =	stream.indirect.gather @!p0 [hbm4b:s3+s31], $0x80, s28, s31, $0xb8;
	[tilespmem:$0x18300] =	vst v63  }
0x3a: {  	s0 =	simm.s32 @!p0 $0x3  }
0x3b: {  	_ =	swait.ge @!p0 [sflag:s0], $0x8000  }
0x3c: {  	p1 =	sgt.u32 @!p0 s26, $0x1F;
	[sflag:s0] =	ssyncset.done @!p0 $0x0  }
0x3d: {  	p1 =	por p1, p0;
	[sflag:s0] =	ssyncadd.s32 @!p0 $0xFFFF8000;
	s0 =	sadd.s32 @!p0 s25, s11  }
0x3e: {  	[hbm4b:s0+s28] =	stream.linear.scatter @!p0 [tilespmem:s1], [sflag:$0x6], $0x8000, $0x38;
	[tilespmem:$0x18300] =	vst v63  }
0x3f: {  	s0 =	simm.s32 @!p1 $0x0;
	s1 =	simm.s32 @!p1 $0x100  }
0x40: {  	[tilespmem:s1], [sflag:$0x7] =	stream.linear.gather @!p1 [hbm4b:s24+s0], $0x100, $0x38;
	[tilespmem:$0x18300] =	vst v63  }
0x41: {  	s0 =	simm.s32 @!p1 $0x7  }
0x42: {  	_ =	swait.ge @!p1 [sflag:s0], $0x100  }
0x43: {  	[sflag:s0] =	ssyncset.done @!p1 $0x0  }
0x44: {  	[sflag:s0] =	ssyncadd.s32 @!p1 $0xFFFFFF00;
	s0 =	simm.s32 @!p1 $0x5  }
0x45: {  	_ =	swait.ge @!p1 [sflag:s0], $0x8000  }
0x46: {  	[sflag:s0] =	ssyncset.done @!p1 $0x0  }
0x47: {  	s25 =	sadd.s32 @!p0 $0x3000, s25;
	[sflag:s0] =	ssyncadd.s32 @!p1 $0xFFFF8000;
	s0 =	simm.s32 @!p1 $0x8300  }
0x48: {  	[tilespmem:s0], [sflag:$0x2] =	stream.indirect.gather @!p1 [hbm4b:s3+s1], $0x80, s1, s1, $0xb8;
	[tilespmem:$0x18300] =	vst v63  }
0x49: {  	p1 =	sne.s32 @!p0 s25, $0x66000  }
0x4a: {  	p1 =	por p0, !p1  }
.Ltmp0:
0x4b: {  	_ = 	snop;
	(pc) =	sbr.rel @!p1 .LBB2_2-.Ltmp0, $3  }
0x4c: {  	_ =	sdelay $0x1  }
0x4d: {  	s22 =	sadd.s32 @!p0 $0x60, s22  }
0x4e: {  	s26 =	sadd.s32 @!p0 $0x1, s26;
	s23 =	sadd.s32 @!p0 $0x60, s23;
	s24 =	sadd.s32 @!p0 $0x60, s24  }
0x4f: {  	_ =	swait.ge [sflag:s18], $0x8000  }
0x50: {  	[sflag:s18] =	ssyncset.done $0x0  }
0x51: {  	s21 =	sadd.s32 $0x1, s21;
	[sflag:s18] =	ssyncadd.s32 $0xFFFF8000  }
0x52: {  	p0 =	sne.s32 s21, s6;
	_ =	swait.ge [sflag:s19], $0x8000  }
.Ltmp1:
0x53: {  	[sflag:s19] =	ssyncset.done $0x0;
	(pc) =	sbr.rel @p0 .LBB2_1-.Ltmp1, $4  }
0x54: {  	[sflag:s19] =	ssyncadd.s32 $0xFFFF8000  }
0x55: {  	_ =	swait.ge [sflag:s20], $0x8000  }
0x56: {  	[sflag:s20] =	ssyncset.done $0x0  }
0x57: {  	[sflag:s20] =	ssyncadd.s32 $0xFFFF8000  }
0x58: {  	_ =	sfence.sel $0x180000  }
0x59: {  	[bflag:$0x0] =	sbarrier.arrive $0xFFFF  }
0x5a: {  	_ =	strace $0x90000047  }
0x5b: {  	s0 =	stileid.u32;
	[bflag:$0x2] =	sbarrier.arrive $0xFFFF  }
0x5c: {  	p0 =	sne.s32 s0, $0x0;
	s0 =	rddreg [dreg:$0x2]  }
0x5d: {  	s0 =	sadd.s32 @!p0 $0x100000, s0  }
0x5e: {  	[sflag:s0] =	ssyncadd.tile.s32 @!p0 $0x1;
	_ =	shalt  }
.Lfunc_end2:
_tile_overlayer_lowered:
.L_overlay_start_2:
0x5f: {  	(tag) =	ssettag $0x2  }
0x60: {  	s0 =	rddreg [dreg:$0x0];
	s2 =	stileid.u32  }
0x61: {  	s1 =	rddreg [dreg:$0x1];
	p0 =	sne.s32 s2, $0x0  }
0x62: {  	s3 =	rddreg [dreg:$0x2];
	[bflag:$0x3] =	sbarrier.arrive $0xFFFF;
	s2 =	simm.s32 @!p0 $0x1C07  }
0x63: {  	[timem:s3], [sflag:s2] =	dma.local @!p0 [hbm:s0], s1  }
0x64: {  	s0 =	simm.s32 @!p0 $0x7  }
0x65: {  	_ =	swait.ge @!p0 [sflag:s0], s1  }
0x66: {  	s1 =	ssub.s32 @!p0 $0x0, s1;
	[sflag:s0] =	ssyncset.done @!p0 $0x0  }
0x67: {  	[sflag:s0] =	ssyncadd.s32 @!p0 s1  }
0x68: {  	[bflag:$0x3] =	sbarrier.arrive $0xFFFF  }
0x69: {  	_ =	shalt  }

</sc_bundles>
